<compile_context>
chip_gen: v7x
topology: tpu7x:2x2x1
jax: 0.10.2.dev20260603
libtpu: 0.0.44.dev20260713+nightly
codegen_flags: <defaults>
</compile_context>

<pallas_src>
import functools

import jax
import jax.numpy as jnp
from jax import lax
from jax.experimental import pallas as pl
from jax.experimental.pallas import tpu as pltpu
from jax.experimental.pallas import tpu_sc as plsc

NC = 2
NS = 16
NW = NC * NS
CH = 128


@functools.partial(jax.jit, static_argnames=("n_rows", "dim", "vocab"))
def _sc_gather(idx2d, table, n_rows, dim, vocab):
    b_per_w = n_rows // NW
    n_chunks = b_per_w // CH
    v_main = (vocab // (8 * NS)) * 8
    v_rem = vocab - v_main * NS

    def body(table_hbm, idx_hbm, out_hbm, shared_tab,
             ib0, ib1, ib2, rb0, rb1, rb2,
             gsem0, gsem1, gsem2, isem0, isem1, isem2, wsem0, wsem1, wsem2):
        cid = lax.axis_index("c")
        sid = lax.axis_index("s")
        wid = sid * NC + cid
        base = wid * b_per_w

        pltpu.sync_copy(
            table_hbm.at[pl.ds(sid * v_main, v_main)],
            shared_tab.at[pl.ds(sid * v_main, v_main)],
        )
        if v_rem:
            @pl.when(sid == 0)
            def _():
                pltpu.sync_copy(
                    table_hbm.at[pl.ds(NS * v_main, v_rem)],
                    shared_tab.at[pl.ds(NS * v_main, v_rem)],
                )
        plsc.subcore_barrier()

        rbs = (rb0, rb1, rb2)
        ibs = (ib0, ib1, ib2)
        gsems = (gsem0, gsem1, gsem2)
        isems = (isem0, isem1, isem2)
        wsems = (wsem0, wsem1, wsem2)
        chunk0 = wid * n_chunks
        n = n_chunks
        nl = n - (n % 3)

        def gather(c, slot):
            return pltpu.make_async_copy(
                shared_tab.at[ibs[slot].at[0]], rbs[slot], gsems[slot])

        def write(c, slot):
            return pltpu.make_async_copy(
                rbs[slot], out_hbm.at[pl.ds(base + c * CH, CH)], wsems[slot])

        def idx_load(c, slot):
            return pltpu.make_async_copy(
                idx_hbm.at[pl.ds(chunk0 + c, 1)], ibs[slot], isems[slot])

        for b in range(3):
            pltpu.sync_copy(idx_hbm.at[pl.ds(chunk0 + b, 1)], ibs[b])
        gather(0, 0).start()

        @pl.loop(0, nl, step=3)
        def _(j):
            for b in range(3):
                bn = (b + 1) % 3
                jj = j + b

                @pl.when(jj + 1 < n)
                def _():
                    @pl.when(jj >= 2)
                    def _():
                        write(jj - 2, bn).wait()
                        idx_load(jj + 1, bn).wait()
                    gather(jj + 1, bn).start()

                gather(jj, b).wait()
                write(jj, b).start()

                @pl.when(jj + 3 < n)
                def _():
                    idx_load(jj + 3, b).start()

        for t, c in enumerate(range(nl, n)):
            s = c % 3
            if t > 0:
                write(c - 3, s).wait()
                idx_load(c, s).wait()
                gather(c, s).start()
            gather(c, s).wait()
            write(c, s).start()
        for c in range(n - 3, n):
            write(c, c % 3).wait()

    mesh = plsc.VectorSubcoreMesh(core_axis_name="c", subcore_axis_name="s")
    f = pl.kernel(
        body,
        out_type=jax.ShapeDtypeStruct((n_rows, dim), jnp.float32),
        mesh=mesh,
        scratch_types=(
            [pltpu.VMEM_SHARED((vocab, dim), jnp.float32)]
            + [pltpu.VMEM((1, CH), jnp.int32)] * 3
            + [pltpu.VMEM((CH, dim), jnp.float32)] * 3
            + [pltpu.SemaphoreType.DMA] * 9
        ),
    )
    return f(table, idx2d)


def kernel(x, embedding):
    b, h = x.shape
    v, d = embedding.shape
    n_rows = b * h
    assert n_rows % (NW * CH * 2) == 0
    idx2d = x.reshape(n_rows // CH, CH)
    out = _sc_gather(idx2d, embedding, n_rows, d, v)
    return out.reshape(b, h, d)

# --- scband reference (transcript-rebuilt; emitter-appended) ---
"""Pipeline reference for scband-positional-embedding-32736240730323 (READ-ONLY COPY).

The authoritative reference and input builder live on the scoring server;
editing this copy changes nothing except your own understanding.
"""

import jax, jax.numpy as jnp
import numpy as np
import math

DIM = 128
MAX_LENGTH = 10000
BATCH = 4096
HIST = 200


def make_embedding(dim, max_length=10000):
    position = np.arange(0, max_length, dtype=np.float64)[:, None]
    div_term = np.exp(np.arange(0, dim, 2, dtype=np.float64) * (-math.log(max_length / 2 / math.pi) / dim))
    embedding = np.zeros((max_length, dim), dtype=np.float32)
    embedding[:, 0::2] = np.sin(position * div_term).astype(np.float32)
    embedding[:, 1::2] = np.cos(position * div_term).astype(np.float32)
    return jnp.asarray(embedding)


def setup_inputs(seed: int = 0) -> dict:
    key = jax.random.key(seed)
    x = jax.random.randint(key, (BATCH, HIST), 0, MAX_LENGTH, dtype=jnp.int32)
    embedding = make_embedding(DIM, MAX_LENGTH)
    return {"x": x, "embedding": embedding}


def reference(x, embedding):
    # PositionalEmbedding.forward: self.embedding[x]
    return jnp.take(embedding, x, axis=0)

if __name__ == "__main__":
    import jax
    _d = setup_inputs()
    print(jax.jit(kernel)(*tuple(_d.values())))

</pallas_src>

<mosaic_0001>
#map = affine_map<(d0, d1) -> (0, 0)>
module attributes {stable_mosaic.version = 14 : i64} {
  func.func @body(%arg0: i32, %arg1: i32, %arg2: memref<10000x128xf32, #tpu.memory_space<hbm>>, %arg3: memref<6400x128xi32, #tpu.memory_space<hbm>>, %arg4: memref<819200x128xf32, #tpu.memory_space<hbm>>, %arg5: memref<10000x128xf32, #tpu.memory_space<vmem_shared>>, %arg6: memref<1x128xi32, #tpu.memory_space<vmem>>, %arg7: memref<1x128xi32, #tpu.memory_space<vmem>>, %arg8: memref<1x128xi32, #tpu.memory_space<vmem>>, %arg9: memref<128x128xf32, #tpu.memory_space<vmem>>, %arg10: memref<128x128xf32, #tpu.memory_space<vmem>>, %arg11: memref<128x128xf32, #tpu.memory_space<vmem>>, %arg12: memref<!tpu.dma_semaphore, #tpu.memory_space<semaphore_mem>>, %arg13: memref<!tpu.dma_semaphore, #tpu.memory_space<semaphore_mem>>, %arg14: memref<!tpu.dma_semaphore, #tpu.memory_space<semaphore_mem>>, %arg15: memref<!tpu.dma_semaphore, #tpu.memory_space<semaphore_mem>>, %arg16: memref<!tpu.dma_semaphore, #tpu.memory_space<semaphore_mem>>, %arg17: memref<!tpu.dma_semaphore, #tpu.memory_space<semaphore_mem>>, %arg18: memref<!tpu.dma_semaphore, #tpu.memory_space<semaphore_mem>>, %arg19: memref<!tpu.dma_semaphore, #tpu.memory_space<semaphore_mem>>, %arg20: memref<!tpu.dma_semaphore, #tpu.memory_space<semaphore_mem>>) attributes {dimension_semantics = [#tpu.dimension_semantics<core_parallel>, #tpu.dimension_semantics<subcore_parallel>], iteration_bounds = array<i64: 2, 16>, scalar_prefetch = 0 : i64, scratch_operands = 16 : i64, tpu.core_type = #tpu.core_type<sc_vector_subcore>, window_params = [{transform_indices = #map}, {transform_indices = #map}, {transform_indices = #map}]} {
    %mul3A = arith.constant 2 : i32
    %mul3A_0 = arith.muli %arg1, %mul3A : i32
    %add3A = arith.addi %mul3A_0, %arg0 : i32
    %mul3A_1 = arith.constant 25600 : i32
    %mul3A_2 = arith.muli %add3A, %mul3A_1 : i32
    %mul3A_3 = arith.constant 624 : i32
    %mul3A_4 = arith.muli %arg1, %mul3A_3 : i32
    %mul3A_5 = arith.constant 624 : i32
    %mul3A_6 = arith.muli %arg1, %mul3A_5 : i32
    "tpu.region"() ({
      %run_scoped3A = tpu.sem_alloc : memref<!tpu.dma_semaphore, #tpu.memory_space<semaphore_mem>>
      %dma_start3A_89 = arith.constant 0 : i32
      %dma_start3A_90 = tpu.memref_slice %arg5[%mul3A_6, %dma_start3A_89] : memref<10000x128xf32, #tpu.memory_space<vmem_shared>> -> memref<624x128xf32, #tpu.memory_space<vmem_shared>>
      %dma_start3A_91 = arith.constant 0 : i32
      %dma_start3A_92 = tpu.memref_slice %arg2[%mul3A_4, %dma_start3A_91] : memref<10000x128xf32, #tpu.memory_space<hbm>> -> memref<624x128xf32, #tpu.memory_space<hbm>>
      tpu.enqueue_dma source(%dma_start3A_92 : memref<624x128xf32, #tpu.memory_space<hbm>>) target(%dma_start3A_90 : memref<624x128xf32, #tpu.memory_space<vmem_shared>>) target_semaphore(%run_scoped3A : memref<!tpu.dma_semaphore, #tpu.memory_space<semaphore_mem>>)
      %dma_wait3A_93 = arith.constant 0 : i32
      %dma_wait3A_94 = tpu.memref_slice %arg5[%mul3A_6, %dma_wait3A_93] : memref<10000x128xf32, #tpu.memory_space<vmem_shared>> -> memref<624x128xf32, #tpu.memory_space<vmem_shared>>
      %dma_wait3A_95 = arith.constant 0 : i32
      %dma_wait3A_96 = tpu.memref_slice %arg2[%mul3A_4, %dma_wait3A_95] : memref<10000x128xf32, #tpu.memory_space<hbm>> -> memref<624x128xf32, #tpu.memory_space<hbm>>
      tpu.wait_dma2 semaphore(%run_scoped3A : memref<!tpu.dma_semaphore, #tpu.memory_space<semaphore_mem>>) src(%dma_wait3A_96 : memref<624x128xf32, #tpu.memory_space<hbm>>) dst(%dma_wait3A_94 : memref<624x128xf32, #tpu.memory_space<vmem_shared>>)
      tpu.yield
    }) : () -> ()
    %eq3A = arith.constant 0 : i32
    %eq3A_7 = arith.cmpi eq, %arg1, %eq3A : i32
    %convert_element_type3A = arith.extui %eq3A_7 : i1 to i32
    %cond3A = arith.constant 0 : i32
    %cond3A_8 = arith.cmpi ne, %convert_element_type3A, %cond3A : i32
    scf.if %cond3A_8 {
      "tpu.region"() ({
        %run_scoped3A = tpu.sem_alloc : memref<!tpu.dma_semaphore, #tpu.memory_space<semaphore_mem>>
        %dma_start3A_89 = arith.constant 9984 : i32
        %dma_start3A_90 = arith.constant 0 : i32
        %dma_start3A_91 = tpu.memref_slice %arg5[%dma_start3A_89, %dma_start3A_90] : memref<10000x128xf32, #tpu.memory_space<vmem_shared>> -> memref<16x128xf32, #tpu.memory_space<vmem_shared>>
        %dma_start3A_92 = arith.constant 9984 : i32
        %dma_start3A_93 = arith.constant 0 : i32
        %dma_start3A_94 = tpu.memref_slice %arg2[%dma_start3A_92, %dma_start3A_93] : memref<10000x128xf32, #tpu.memory_space<hbm>> -> memref<16x128xf32, #tpu.memory_space<hbm>>
        tpu.enqueue_dma source(%dma_start3A_94 : memref<16x128xf32, #tpu.memory_space<hbm>>) target(%dma_start3A_91 : memref<16x128xf32, #tpu.memory_space<vmem_shared>>) target_semaphore(%run_scoped3A : memref<!tpu.dma_semaphore, #tpu.memory_space<semaphore_mem>>)
        %dma_wait3A_95 = arith.constant 9984 : i32
        %dma_wait3A_96 = arith.constant 0 : i32
        %dma_wait3A_97 = tpu.memref_slice %arg5[%dma_wait3A_95, %dma_wait3A_96] : memref<10000x128xf32, #tpu.memory_space<vmem_shared>> -> memref<16x128xf32, #tpu.memory_space<vmem_shared>>
        %dma_wait3A_98 = arith.constant 9984 : i32
        %dma_wait3A_99 = arith.constant 0 : i32
        %dma_wait3A_100 = tpu.memref_slice %arg2[%dma_wait3A_98, %dma_wait3A_99] : memref<10000x128xf32, #tpu.memory_space<hbm>> -> memref<16x128xf32, #tpu.memory_space<hbm>>
        tpu.wait_dma2 semaphore(%run_scoped3A : memref<!tpu.dma_semaphore, #tpu.memory_space<semaphore_mem>>) src(%dma_wait3A_100 : memref<16x128xf32, #tpu.memory_space<hbm>>) dst(%dma_wait3A_97 : memref<16x128xf32, #tpu.memory_space<vmem_shared>>)
        tpu.yield
      }) : () -> ()
    } else {
    }
    %barrier3A = arith.constant 0 : index
    tpu.barrier barrier_id(%barrier3A)
    %mul3A_9 = arith.constant 200 : i32
    %mul3A_10 = arith.muli %add3A, %mul3A_9 : i32
    %add3A_11 = arith.constant 0 : i32
    %add3A_12 = arith.addi %mul3A_10, %add3A_11 : i32
    "tpu.region"() ({
      %run_scoped3A = tpu.sem_alloc : memref<!tpu.dma_semaphore, #tpu.memory_space<semaphore_mem>>
      %dma_start3A_89 = arith.constant 0 : i32
      %dma_start3A_90 = tpu.memref_slice %arg3[%add3A_12, %dma_start3A_89] : memref<6400x128xi32, #tpu.memory_space<hbm>> -> memref<1x128xi32, #tpu.memory_space<hbm>>
      %dma_start3A_91 = arith.constant 0 : i32
      %dma_start3A_92 = tpu.memref_slice %arg3[%add3A_12, %dma_start3A_91] : memref<6400x128xi32, #tpu.memory_space<hbm>> -> memref<1x128xi32, #tpu.memory_space<hbm>>
      tpu.enqueue_dma source(%dma_start3A_92 : memref<1x128xi32, #tpu.memory_space<hbm>>) target(%arg6 : memref<1x128xi32, #tpu.memory_space<vmem>>) target_semaphore(%run_scoped3A : memref<!tpu.dma_semaphore, #tpu.memory_space<semaphore_mem>>)
      %dma_wait3A_93 = arith.constant 0 : i32
      %dma_wait3A_94 = tpu.memref_slice %arg3[%add3A_12, %dma_wait3A_93] : memref<6400x128xi32, #tpu.memory_space<hbm>> -> memref<1x128xi32, #tpu.memory_space<hbm>>
      %dma_wait3A_95 = arith.constant 0 : i32
      %dma_wait3A_96 = tpu.memref_slice %arg3[%add3A_12, %dma_wait3A_95] : memref<6400x128xi32, #tpu.memory_space<hbm>> -> memref<1x128xi32, #tpu.memory_space<hbm>>
      tpu.wait_dma2 semaphore(%run_scoped3A : memref<!tpu.dma_semaphore, #tpu.memory_space<semaphore_mem>>) src(%dma_wait3A_96 : memref<1x128xi32, #tpu.memory_space<hbm>>) dst(%arg6 : memref<1x128xi32, #tpu.memory_space<vmem>>)
      tpu.yield
    }) : () -> ()
    %add3A_13 = arith.constant 1 : i32
    %add3A_14 = arith.addi %mul3A_10, %add3A_13 : i32
    "tpu.region"() ({
      %run_scoped3A = tpu.sem_alloc : memref<!tpu.dma_semaphore, #tpu.memory_space<semaphore_mem>>
      %dma_start3A_89 = arith.constant 0 : i32
      %dma_start3A_90 = tpu.memref_slice %arg3[%add3A_14, %dma_start3A_89] : memref<6400x128xi32, #tpu.memory_space<hbm>> -> memref<1x128xi32, #tpu.memory_space<hbm>>
      %dma_start3A_91 = arith.constant 0 : i32
      %dma_start3A_92 = tpu.memref_slice %arg3[%add3A_14, %dma_start3A_91] : memref<6400x128xi32, #tpu.memory_space<hbm>> -> memref<1x128xi32, #tpu.memory_space<hbm>>
      tpu.enqueue_dma source(%dma_start3A_92 : memref<1x128xi32, #tpu.memory_space<hbm>>) target(%arg7 : memref<1x128xi32, #tpu.memory_space<vmem>>) target_semaphore(%run_scoped3A : memref<!tpu.dma_semaphore, #tpu.memory_space<semaphore_mem>>)
      %dma_wait3A_93 = arith.constant 0 : i32
      %dma_wait3A_94 = tpu.memref_slice %arg3[%add3A_14, %dma_wait3A_93] : memref<6400x128xi32, #tpu.memory_space<hbm>> -> memref<1x128xi32, #tpu.memory_space<hbm>>
      %dma_wait3A_95 = arith.constant 0 : i32
      %dma_wait3A_96 = tpu.memref_slice %arg3[%add3A_14, %dma_wait3A_95] : memref<6400x128xi32, #tpu.memory_space<hbm>> -> memref<1x128xi32, #tpu.memory_space<hbm>>
      tpu.wait_dma2 semaphore(%run_scoped3A : memref<!tpu.dma_semaphore, #tpu.memory_space<semaphore_mem>>) src(%dma_wait3A_96 : memref<1x128xi32, #tpu.memory_space<hbm>>) dst(%arg7 : memref<1x128xi32, #tpu.memory_space<vmem>>)
      tpu.yield
    }) : () -> ()
    %add3A_15 = arith.constant 2 : i32
    %add3A_16 = arith.addi %mul3A_10, %add3A_15 : i32
    "tpu.region"() ({
      %run_scoped3A = tpu.sem_alloc : memref<!tpu.dma_semaphore, #tpu.memory_space<semaphore_mem>>
      %dma_start3A_89 = arith.constant 0 : i32
      %dma_start3A_90 = tpu.memref_slice %arg3[%add3A_16, %dma_start3A_89] : memref<6400x128xi32, #tpu.memory_space<hbm>> -> memref<1x128xi32, #tpu.memory_space<hbm>>
      %dma_start3A_91 = arith.constant 0 : i32
      %dma_start3A_92 = tpu.memref_slice %arg3[%add3A_16, %dma_start3A_91] : memref<6400x128xi32, #tpu.memory_space<hbm>> -> memref<1x128xi32, #tpu.memory_space<hbm>>
      tpu.enqueue_dma source(%dma_start3A_92 : memref<1x128xi32, #tpu.memory_space<hbm>>) target(%arg8 : memref<1x128xi32, #tpu.memory_space<vmem>>) target_semaphore(%run_scoped3A : memref<!tpu.dma_semaphore, #tpu.memory_space<semaphore_mem>>)
      %dma_wait3A_93 = arith.constant 0 : i32
      %dma_wait3A_94 = tpu.memref_slice %arg3[%add3A_16, %dma_wait3A_93] : memref<6400x128xi32, #tpu.memory_space<hbm>> -> memref<1x128xi32, #tpu.memory_space<hbm>>
      %dma_wait3A_95 = arith.constant 0 : i32
      %dma_wait3A_96 = tpu.memref_slice %arg3[%add3A_16, %dma_wait3A_95] : memref<6400x128xi32, #tpu.memory_space<hbm>> -> memref<1x128xi32, #tpu.memory_space<hbm>>
      tpu.wait_dma2 semaphore(%run_scoped3A : memref<!tpu.dma_semaphore, #tpu.memory_space<semaphore_mem>>) src(%dma_wait3A_96 : memref<1x128xi32, #tpu.memory_space<hbm>>) dst(%arg8 : memref<1x128xi32, #tpu.memory_space<vmem>>)
      tpu.yield
    }) : () -> ()
    %dma_start3A = arith.constant 0 : i32
    %dma_start3A_17 = arith.constant 0 : i32
    %dma_start3A_18 = tpu.memref_slice %arg6[%dma_start3A, %dma_start3A_17] : memref<1x128xi32, #tpu.memory_space<vmem>> -> memref<1x128xi32, #tpu.memory_space<vmem>>
    %dma_start3A_19 = tpu.memref_squeeze %dma_start3A_18 : memref<1x128xi32, #tpu.memory_space<vmem>> -> memref<128xi32, #tpu.memory_space<vmem>>
    %dma_start3A_20 = arith.constant 0 : i32
    %dma_start3A_21 = arith.constant 0 : i32
    %dma_start3A_22 = tpu.memref_slice %arg5[%dma_start3A_20, %dma_start3A_21] : memref<10000x128xf32, #tpu.memory_space<vmem_shared>> -> memref<10000x128xf32, #tpu.memory_space<vmem_shared>>
    tpu.enqueue_indirect_dma source(%dma_start3A_22 : memref<10000x128xf32, #tpu.memory_space<vmem_shared>>) target(%arg9 : memref<128x128xf32, #tpu.memory_space<vmem>>) offsets(%dma_start3A_19 : memref<128xi32, #tpu.memory_space<vmem>>) semaphore(%arg12 : memref<!tpu.dma_semaphore, #tpu.memory_space<semaphore_mem>>)
    %scan3A = arith.constant 0 : i32
    %scan3A_23 = arith.constant 66 : i32
    %scan3A_24 = arith.addi %scan3A, %scan3A_23 : i32
    %scan3A_25 = arith.constant 1 : i32
    scf.for %scan3A_89 = %scan3A to %scan3A_24 step %scan3A_25  : i32 {
      %mul3A_90 = arith.constant 3 : i32
      %mul3A_91 = arith.muli %scan3A_89, %mul3A_90 : i32
      %add3A_92 = arith.constant 0 : i32
      %add3A_93 = arith.addi %add3A_92, %mul3A_91 : i32
      %add3A_94 = arith.constant 0 : i32
      %add3A_95 = arith.addi %add3A_93, %add3A_94 : i32
      %add3A_96 = arith.constant 1 : i32
      %add3A_97 = arith.addi %add3A_95, %add3A_96 : i32
      %lt3A = arith.constant 200 : i32
      %lt3A_98 = arith.cmpi slt, %add3A_97, %lt3A : i32
      %convert_element_type3A_99 = arith.extui %lt3A_98 : i1 to i32
      %cond3A_100 = arith.constant 0 : i32
      %cond3A_101 = arith.cmpi ne, %convert_element_type3A_99, %cond3A_100 : i32
      scf.if %cond3A_101 {
        %ge3A = arith.constant 2 : i32
        %ge3A_183 = arith.cmpi sge, %add3A_95, %ge3A : i32
        %convert_element_type3A_184 = arith.extui %ge3A_183 : i1 to i32
        %cond3A_185 = arith.constant 0 : i32
        %cond3A_186 = arith.cmpi ne, %convert_element_type3A_184, %cond3A_185 : i32
        scf.if %cond3A_186 {
          %sub3A = arith.constant 2 : i32
          %sub3A_196 = arith.subi %add3A_95, %sub3A : i32
          %mul3A_197 = arith.constant 128 : i32
          %mul3A_198 = arith.muli %sub3A_196, %mul3A_197 : i32
          %add3A_199 = arith.addi %mul3A_2, %mul3A_198 : i32
          %dma_wait3A_200 = arith.constant 0 : i32
          %dma_wait3A_201 = tpu.memref_slice %arg4[%add3A_199, %dma_wait3A_200] : memref<819200x128xf32, #tpu.memory_space<hbm>> -> memref<128x128xf32, #tpu.memory_space<hbm>>
          %dma_wait3A_202 = arith.constant 0 : i32
          %dma_wait3A_203 = tpu.memref_slice %arg4[%add3A_199, %dma_wait3A_202] : memref<819200x128xf32, #tpu.memory_space<hbm>> -> memref<128x128xf32, #tpu.memory_space<hbm>>
          tpu.wait_dma2 semaphore(%arg19 : memref<!tpu.dma_semaphore, #tpu.memory_space<semaphore_mem>>) src(%arg10 : memref<128x128xf32, #tpu.memory_space<vmem>>) dst(%dma_wait3A_203 : memref<128x128xf32, #tpu.memory_space<hbm>>)
          %add3A_204 = arith.constant 1 : i32
          %add3A_205 = arith.addi %add3A_95, %add3A_204 : i32
          %add3A_206 = arith.addi %mul3A_10, %add3A_205 : i32
          %dma_wait3A_207 = arith.constant 0 : i32
          %dma_wait3A_208 = tpu.memref_slice %arg3[%add3A_206, %dma_wait3A_207] : memref<6400x128xi32, #tpu.memory_space<hbm>> -> memref<1x128xi32, #tpu.memory_space<hbm>>
          %dma_wait3A_209 = arith.constant 0 : i32
          %dma_wait3A_210 = tpu.memref_slice %arg3[%add3A_206, %dma_wait3A_209] : memref<6400x128xi32, #tpu.memory_space<hbm>> -> memref<1x128xi32, #tpu.memory_space<hbm>>
          tpu.wait_dma2 semaphore(%arg16 : memref<!tpu.dma_semaphore, #tpu.memory_space<semaphore_mem>>) src(%dma_wait3A_210 : memref<1x128xi32, #tpu.memory_space<hbm>>) dst(%arg7 : memref<1x128xi32, #tpu.memory_space<vmem>>)
        } else {
        }
        %add3A_187 = arith.constant 1 : i32
        %add3A_188 = arith.addi %add3A_95, %add3A_187 : i32
        %dma_start3A_189 = arith.constant 0 : i32
        %dma_start3A_190 = arith.constant 0 : i32
        %dma_start3A_191 = tpu.memref_slice %arg7[%dma_start3A_189, %dma_start3A_190] : memref<1x128xi32, #tpu.memory_space<vmem>> -> memref<1x128xi32, #tpu.memory_space<vmem>>
        %dma_start3A_192 = tpu.memref_squeeze %dma_start3A_191 : memref<1x128xi32, #tpu.memory_space<vmem>> -> memref<128xi32, #tpu.memory_space<vmem>>
        %dma_start3A_193 = arith.constant 0 : i32
        %dma_start3A_194 = arith.constant 0 : i32
        %dma_start3A_195 = tpu.memref_slice %arg5[%dma_start3A_193, %dma_start3A_194] : memref<10000x128xf32, #tpu.memory_space<vmem_shared>> -> memref<10000x128xf32, #tpu.memory_space<vmem_shared>>
        tpu.enqueue_indirect_dma source(%dma_start3A_195 : memref<10000x128xf32, #tpu.memory_space<vmem_shared>>) target(%arg10 : memref<128x128xf32, #tpu.memory_space<vmem>>) offsets(%dma_start3A_192 : memref<128xi32, #tpu.memory_space<vmem>>) semaphore(%arg13 : memref<!tpu.dma_semaphore, #tpu.memory_space<semaphore_mem>>)
      } else {
      }
      %dma_wait3A_102 = arith.constant 0 : i32
      %dma_wait3A_103 = arith.constant 0 : i32
      %dma_wait3A_104 = tpu.memref_slice %arg6[%dma_wait3A_102, %dma_wait3A_103] : memref<1x128xi32, #tpu.memory_space<vmem>> -> memref<1x128xi32, #tpu.memory_space<vmem>>
      %dma_wait3A_105 = tpu.memref_squeeze %dma_wait3A_104 : memref<1x128xi32, #tpu.memory_space<vmem>> -> memref<128xi32, #tpu.memory_space<vmem>>
      %dma_wait3A_106 = arith.constant 0 : i32
      %dma_wait3A_107 = arith.constant 0 : i32
      %dma_wait3A_108 = tpu.memref_slice %arg5[%dma_wait3A_106, %dma_wait3A_107] : memref<10000x128xf32, #tpu.memory_space<vmem_shared>> -> memref<10000x128xf32, #tpu.memory_space<vmem_shared>>
      tpu.wait_indirect_dma semaphore(%arg12 : memref<!tpu.dma_semaphore, #tpu.memory_space<semaphore_mem>>) src(%dma_wait3A_108 : memref<10000x128xf32, #tpu.memory_space<vmem_shared>>) dst(%arg9 : memref<128x128xf32, #tpu.memory_space<vmem>>)
      %mul3A_109 = arith.constant 128 : i32
      %mul3A_110 = arith.muli %add3A_95, %mul3A_109 : i32
      %add3A_111 = arith.addi %mul3A_2, %mul3A_110 : i32
      %dma_start3A_112 = arith.constant 0 : i32
      %dma_start3A_113 = tpu.memref_slice %arg4[%add3A_111, %dma_start3A_112] : memref<819200x128xf32, #tpu.memory_space<hbm>> -> memref<128x128xf32, #tpu.memory_space<hbm>>
      %dma_start3A_114 = arith.constant 0 : i32
      %dma_start3A_115 = tpu.memref_slice %arg4[%add3A_111, %dma_start3A_114] : memref<819200x128xf32, #tpu.memory_space<hbm>> -> memref<128x128xf32, #tpu.memory_space<hbm>>
      tpu.enqueue_dma source(%arg9 : memref<128x128xf32, #tpu.memory_space<vmem>>) target(%dma_start3A_115 : memref<128x128xf32, #tpu.memory_space<hbm>>) target_semaphore(%arg18 : memref<!tpu.dma_semaphore, #tpu.memory_space<semaphore_mem>>)
      %add3A_116 = arith.constant 3 : i32
      %add3A_117 = arith.addi %add3A_95, %add3A_116 : i32
      %lt3A_118 = arith.constant 200 : i32
      %lt3A_119 = arith.cmpi slt, %add3A_117, %lt3A_118 : i32
      %convert_element_type3A_120 = arith.extui %lt3A_119 : i1 to i32
      %cond3A_121 = arith.constant 0 : i32
      %cond3A_122 = arith.cmpi ne, %convert_element_type3A_120, %cond3A_121 : i32
      scf.if %cond3A_122 {
        %add3A_183 = arith.constant 3 : i32
        %add3A_184 = arith.addi %add3A_95, %add3A_183 : i32
        %add3A_185 = arith.addi %mul3A_10, %add3A_184 : i32
        %dma_start3A_186 = arith.constant 0 : i32
        %dma_start3A_187 = tpu.memref_slice %arg3[%add3A_185, %dma_start3A_186] : memref<6400x128xi32, #tpu.memory_space<hbm>> -> memref<1x128xi32, #tpu.memory_space<hbm>>
        %dma_start3A_188 = arith.constant 0 : i32
        %dma_start3A_189 = tpu.memref_slice %arg3[%add3A_185, %dma_start3A_188] : memref<6400x128xi32, #tpu.memory_space<hbm>> -> memref<1x128xi32, #tpu.memory_space<hbm>>
        tpu.enqueue_dma source(%dma_start3A_189 : memref<1x128xi32, #tpu.memory_space<hbm>>) target(%arg6 : memref<1x128xi32, #tpu.memory_space<vmem>>) target_semaphore(%arg15 : memref<!tpu.dma_semaphore, #tpu.memory_space<semaphore_mem>>)
      } else {
      }
      %add3A_123 = arith.constant 1 : i32
      %add3A_124 = arith.addi %add3A_93, %add3A_123 : i32
      %add3A_125 = arith.constant 1 : i32
      %add3A_126 = arith.addi %add3A_124, %add3A_125 : i32
      %lt3A_127 = arith.constant 200 : i32
      %lt3A_128 = arith.cmpi slt, %add3A_126, %lt3A_127 : i32
      %convert_element_type3A_129 = arith.extui %lt3A_128 : i1 to i32
      %cond3A_130 = arith.constant 0 : i32
      %cond3A_131 = arith.cmpi ne, %convert_element_type3A_129, %cond3A_130 : i32
      scf.if %cond3A_131 {
        %ge3A = arith.constant 2 : i32
        %ge3A_183 = arith.cmpi sge, %add3A_124, %ge3A : i32
        %convert_element_type3A_184 = arith.extui %ge3A_183 : i1 to i32
        %cond3A_185 = arith.constant 0 : i32
        %cond3A_186 = arith.cmpi ne, %convert_element_type3A_184, %cond3A_185 : i32
        scf.if %cond3A_186 {
          %sub3A = arith.constant 2 : i32
          %sub3A_196 = arith.subi %add3A_124, %sub3A : i32
          %mul3A_197 = arith.constant 128 : i32
          %mul3A_198 = arith.muli %sub3A_196, %mul3A_197 : i32
          %add3A_199 = arith.addi %mul3A_2, %mul3A_198 : i32
          %dma_wait3A_200 = arith.constant 0 : i32
          %dma_wait3A_201 = tpu.memref_slice %arg4[%add3A_199, %dma_wait3A_200] : memref<819200x128xf32, #tpu.memory_space<hbm>> -> memref<128x128xf32, #tpu.memory_space<hbm>>
          %dma_wait3A_202 = arith.constant 0 : i32
          %dma_wait3A_203 = tpu.memref_slice %arg4[%add3A_199, %dma_wait3A_202] : memref<819200x128xf32, #tpu.memory_space<hbm>> -> memref<128x128xf32, #tpu.memory_space<hbm>>
          tpu.wait_dma2 semaphore(%arg20 : memref<!tpu.dma_semaphore, #tpu.memory_space<semaphore_mem>>) src(%arg11 : memref<128x128xf32, #tpu.memory_space<vmem>>) dst(%dma_wait3A_203 : memref<128x128xf32, #tpu.memory_space<hbm>>)
          %add3A_204 = arith.constant 1 : i32
          %add3A_205 = arith.addi %add3A_124, %add3A_204 : i32
          %add3A_206 = arith.addi %mul3A_10, %add3A_205 : i32
          %dma_wait3A_207 = arith.constant 0 : i32
          %dma_wait3A_208 = tpu.memref_slice %arg3[%add3A_206, %dma_wait3A_207] : memref<6400x128xi32, #tpu.memory_space<hbm>> -> memref<1x128xi32, #tpu.memory_space<hbm>>
          %dma_wait3A_209 = arith.constant 0 : i32
          %dma_wait3A_210 = tpu.memref_slice %arg3[%add3A_206, %dma_wait3A_209] : memref<6400x128xi32, #tpu.memory_space<hbm>> -> memref<1x128xi32, #tpu.memory_space<hbm>>
          tpu.wait_dma2 semaphore(%arg17 : memref<!tpu.dma_semaphore, #tpu.memory_space<semaphore_mem>>) src(%dma_wait3A_210 : memref<1x128xi32, #tpu.memory_space<hbm>>) dst(%arg8 : memref<1x128xi32, #tpu.memory_space<vmem>>)
        } else {
        }
        %add3A_187 = arith.constant 1 : i32
        %add3A_188 = arith.addi %add3A_124, %add3A_187 : i32
        %dma_start3A_189 = arith.constant 0 : i32
        %dma_start3A_190 = arith.constant 0 : i32
        %dma_start3A_191 = tpu.memref_slice %arg8[%dma_start3A_189, %dma_start3A_190] : memref<1x128xi32, #tpu.memory_space<vmem>> -> memref<1x128xi32, #tpu.memory_space<vmem>>
        %dma_start3A_192 = tpu.memref_squeeze %dma_start3A_191 : memref<1x128xi32, #tpu.memory_space<vmem>> -> memref<128xi32, #tpu.memory_space<vmem>>
        %dma_start3A_193 = arith.constant 0 : i32
        %dma_start3A_194 = arith.constant 0 : i32
        %dma_start3A_195 = tpu.memref_slice %arg5[%dma_start3A_193, %dma_start3A_194] : memref<10000x128xf32, #tpu.memory_space<vmem_shared>> -> memref<10000x128xf32, #tpu.memory_space<vmem_shared>>
        tpu.enqueue_indirect_dma source(%dma_start3A_195 : memref<10000x128xf32, #tpu.memory_space<vmem_shared>>) target(%arg11 : memref<128x128xf32, #tpu.memory_space<vmem>>) offsets(%dma_start3A_192 : memref<128xi32, #tpu.memory_space<vmem>>) semaphore(%arg14 : memref<!tpu.dma_semaphore, #tpu.memory_space<semaphore_mem>>)
      } else {
      }
      %dma_wait3A_132 = arith.constant 0 : i32
      %dma_wait3A_133 = arith.constant 0 : i32
      %dma_wait3A_134 = tpu.memref_slice %arg7[%dma_wait3A_132, %dma_wait3A_133] : memref<1x128xi32, #tpu.memory_space<vmem>> -> memref<1x128xi32, #tpu.memory_space<vmem>>
      %dma_wait3A_135 = tpu.memref_squeeze %dma_wait3A_134 : memref<1x128xi32, #tpu.memory_space<vmem>> -> memref<128xi32, #tpu.memory_space<vmem>>
      %dma_wait3A_136 = arith.constant 0 : i32
      %dma_wait3A_137 = arith.constant 0 : i32
      %dma_wait3A_138 = tpu.memref_slice %arg5[%dma_wait3A_136, %dma_wait3A_137] : memref<10000x128xf32, #tpu.memory_space<vmem_shared>> -> memref<10000x128xf32, #tpu.memory_space<vmem_shared>>
      tpu.wait_indirect_dma semaphore(%arg13 : memref<!tpu.dma_semaphore, #tpu.memory_space<semaphore_mem>>) src(%dma_wait3A_138 : memref<10000x128xf32, #tpu.memory_space<vmem_shared>>) dst(%arg10 : memref<128x128xf32, #tpu.memory_space<vmem>>)
      %mul3A_139 = arith.constant 128 : i32
      %mul3A_140 = arith.muli %add3A_124, %mul3A_139 : i32
      %add3A_141 = arith.addi %mul3A_2, %mul3A_140 : i32
      %dma_start3A_142 = arith.constant 0 : i32
      %dma_start3A_143 = tpu.memref_slice %arg4[%add3A_141, %dma_start3A_142] : memref<819200x128xf32, #tpu.memory_space<hbm>> -> memref<128x128xf32, #tpu.memory_space<hbm>>
      %dma_start3A_144 = arith.constant 0 : i32
      %dma_start3A_145 = tpu.memref_slice %arg4[%add3A_141, %dma_start3A_144] : memref<819200x128xf32, #tpu.memory_space<hbm>> -> memref<128x128xf32, #tpu.memory_space<hbm>>
      tpu.enqueue_dma source(%arg10 : memref<128x128xf32, #tpu.memory_space<vmem>>) target(%dma_start3A_145 : memref<128x128xf32, #tpu.memory_space<hbm>>) target_semaphore(%arg19 : memref<!tpu.dma_semaphore, #tpu.memory_space<semaphore_mem>>)
      %add3A_146 = arith.constant 3 : i32
      %add3A_147 = arith.addi %add3A_124, %add3A_146 : i32
      %lt3A_148 = arith.constant 200 : i32
      %lt3A_149 = arith.cmpi slt, %add3A_147, %lt3A_148 : i32
      %convert_element_type3A_150 = arith.extui %lt3A_149 : i1 to i32
      %cond3A_151 = arith.constant 0 : i32
      %cond3A_152 = arith.cmpi ne, %convert_element_type3A_150, %cond3A_151 : i32
      scf.if %cond3A_152 {
        %add3A_183 = arith.constant 3 : i32
        %add3A_184 = arith.addi %add3A_124, %add3A_183 : i32
        %add3A_185 = arith.addi %mul3A_10, %add3A_184 : i32
        %dma_start3A_186 = arith.constant 0 : i32
        %dma_start3A_187 = tpu.memref_slice %arg3[%add3A_185, %dma_start3A_186] : memref<6400x128xi32, #tpu.memory_space<hbm>> -> memref<1x128xi32, #tpu.memory_space<hbm>>
        %dma_start3A_188 = arith.constant 0 : i32
        %dma_start3A_189 = tpu.memref_slice %arg3[%add3A_185, %dma_start3A_188] : memref<6400x128xi32, #tpu.memory_space<hbm>> -> memref<1x128xi32, #tpu.memory_space<hbm>>
        tpu.enqueue_dma source(%dma_start3A_189 : memref<1x128xi32, #tpu.memory_space<hbm>>) target(%arg7 : memref<1x128xi32, #tpu.memory_space<vmem>>) target_semaphore(%arg16 : memref<!tpu.dma_semaphore, #tpu.memory_space<semaphore_mem>>)
      } else {
      }
      %add3A_153 = arith.constant 2 : i32
      %add3A_154 = arith.addi %add3A_93, %add3A_153 : i32
      %add3A_155 = arith.constant 1 : i32
      %add3A_156 = arith.addi %add3A_154, %add3A_155 : i32
      %lt3A_157 = arith.constant 200 : i32
      %lt3A_158 = arith.cmpi slt, %add3A_156, %lt3A_157 : i32
      %convert_element_type3A_159 = arith.extui %lt3A_158 : i1 to i32
      %cond3A_160 = arith.constant 0 : i32
      %cond3A_161 = arith.cmpi ne, %convert_element_type3A_159, %cond3A_160 : i32
      scf.if %cond3A_161 {
        %ge3A = arith.constant 2 : i32
        %ge3A_183 = arith.cmpi sge, %add3A_154, %ge3A : i32
        %convert_element_type3A_184 = arith.extui %ge3A_183 : i1 to i32
        %cond3A_185 = arith.constant 0 : i32
        %cond3A_186 = arith.cmpi ne, %convert_element_type3A_184, %cond3A_185 : i32
        scf.if %cond3A_186 {
          %sub3A = arith.constant 2 : i32
          %sub3A_196 = arith.subi %add3A_154, %sub3A : i32
          %mul3A_197 = arith.constant 128 : i32
          %mul3A_198 = arith.muli %sub3A_196, %mul3A_197 : i32
          %add3A_199 = arith.addi %mul3A_2, %mul3A_198 : i32
          %dma_wait3A_200 = arith.constant 0 : i32
          %dma_wait3A_201 = tpu.memref_slice %arg4[%add3A_199, %dma_wait3A_200] : memref<819200x128xf32, #tpu.memory_space<hbm>> -> memref<128x128xf32, #tpu.memory_space<hbm>>
          %dma_wait3A_202 = arith.constant 0 : i32
          %dma_wait3A_203 = tpu.memref_slice %arg4[%add3A_199, %dma_wait3A_202] : memref<819200x128xf32, #tpu.memory_space<hbm>> -> memref<128x128xf32, #tpu.memory_space<hbm>>
          tpu.wait_dma2 semaphore(%arg18 : memref<!tpu.dma_semaphore, #tpu.memory_space<semaphore_mem>>) src(%arg9 : memref<128x128xf32, #tpu.memory_space<vmem>>) dst(%dma_wait3A_203 : memref<128x128xf32, #tpu.memory_space<hbm>>)
          %add3A_204 = arith.constant 1 : i32
          %add3A_205 = arith.addi %add3A_154, %add3A_204 : i32
          %add3A_206 = arith.addi %mul3A_10, %add3A_205 : i32
          %dma_wait3A_207 = arith.constant 0 : i32
          %dma_wait3A_208 = tpu.memref_slice %arg3[%add3A_206, %dma_wait3A_207] : memref<6400x128xi32, #tpu.memory_space<hbm>> -> memref<1x128xi32, #tpu.memory_space<hbm>>
          %dma_wait3A_209 = arith.constant 0 : i32
          %dma_wait3A_210 = tpu.memref_slice %arg3[%add3A_206, %dma_wait3A_209] : memref<6400x128xi32, #tpu.memory_space<hbm>> -> memref<1x128xi32, #tpu.memory_space<hbm>>
          tpu.wait_dma2 semaphore(%arg15 : memref<!tpu.dma_semaphore, #tpu.memory_space<semaphore_mem>>) src(%dma_wait3A_210 : memref<1x128xi32, #tpu.memory_space<hbm>>) dst(%arg6 : memref<1x128xi32, #tpu.memory_space<vmem>>)
        } else {
        }
        %add3A_187 = arith.constant 1 : i32
        %add3A_188 = arith.addi %add3A_154, %add3A_187 : i32
        %dma_start3A_189 = arith.constant 0 : i32
        %dma_start3A_190 = arith.constant 0 : i32
        %dma_start3A_191 = tpu.memref_slice %arg6[%dma_start3A_189, %dma_start3A_190] : memref<1x128xi32, #tpu.memory_space<vmem>> -> memref<1x128xi32, #tpu.memory_space<vmem>>
        %dma_start3A_192 = tpu.memref_squeeze %dma_start3A_191 : memref<1x128xi32, #tpu.memory_space<vmem>> -> memref<128xi32, #tpu.memory_space<vmem>>
        %dma_start3A_193 = arith.constant 0 : i32
        %dma_start3A_194 = arith.constant 0 : i32
        %dma_start3A_195 = tpu.memref_slice %arg5[%dma_start3A_193, %dma_start3A_194] : memref<10000x128xf32, #tpu.memory_space<vmem_shared>> -> memref<10000x128xf32, #tpu.memory_space<vmem_shared>>
        tpu.enqueue_indirect_dma source(%dma_start3A_195 : memref<10000x128xf32, #tpu.memory_space<vmem_shared>>) target(%arg9 : memref<128x128xf32, #tpu.memory_space<vmem>>) offsets(%dma_start3A_192 : memref<128xi32, #tpu.memory_space<vmem>>) semaphore(%arg12 : memref<!tpu.dma_semaphore, #tpu.memory_space<semaphore_mem>>)
      } else {
      }
      %dma_wait3A_162 = arith.constant 0 : i32
      %dma_wait3A_163 = arith.constant 0 : i32
      %dma_wait3A_164 = tpu.memref_slice %arg8[%dma_wait3A_162, %dma_wait3A_163] : memref<1x128xi32, #tpu.memory_space<vmem>> -> memref<1x128xi32, #tpu.memory_space<vmem>>
      %dma_wait3A_165 = tpu.memref_squeeze %dma_wait3A_164 : memref<1x128xi32, #tpu.memory_space<vmem>> -> memref<128xi32, #tpu.memory_space<vmem>>
      %dma_wait3A_166 = arith.constant 0 : i32
      %dma_wait3A_167 = arith.constant 0 : i32
      %dma_wait3A_168 = tpu.memref_slice %arg5[%dma_wait3A_166, %dma_wait3A_167] : memref<10000x128xf32, #tpu.memory_space<vmem_shared>> -> memref<10000x128xf32, #tpu.memory_space<vmem_shared>>
      tpu.wait_indirect_dma semaphore(%arg14 : memref<!tpu.dma_semaphore, #tpu.memory_space<semaphore_mem>>) src(%dma_wait3A_168 : memref<10000x128xf32, #tpu.memory_space<vmem_shared>>) dst(%arg11 : memref<128x128xf32, #tpu.memory_space<vmem>>)
      %mul3A_169 = arith.constant 128 : i32
      %mul3A_170 = arith.muli %add3A_154, %mul3A_169 : i32
      %add3A_171 = arith.addi %mul3A_2, %mul3A_170 : i32
      %dma_start3A_172 = arith.constant 0 : i32
      %dma_start3A_173 = tpu.memref_slice %arg4[%add3A_171, %dma_start3A_172] : memref<819200x128xf32, #tpu.memory_space<hbm>> -> memref<128x128xf32, #tpu.memory_space<hbm>>
      %dma_start3A_174 = arith.constant 0 : i32
      %dma_start3A_175 = tpu.memref_slice %arg4[%add3A_171, %dma_start3A_174] : memref<819200x128xf32, #tpu.memory_space<hbm>> -> memref<128x128xf32, #tpu.memory_space<hbm>>
      tpu.enqueue_dma source(%arg11 : memref<128x128xf32, #tpu.memory_space<vmem>>) target(%dma_start3A_175 : memref<128x128xf32, #tpu.memory_space<hbm>>) target_semaphore(%arg20 : memref<!tpu.dma_semaphore, #tpu.memory_space<semaphore_mem>>)
      %add3A_176 = arith.constant 3 : i32
      %add3A_177 = arith.addi %add3A_154, %add3A_176 : i32
      %lt3A_178 = arith.constant 200 : i32
      %lt3A_179 = arith.cmpi slt, %add3A_177, %lt3A_178 : i32
      %convert_element_type3A_180 = arith.extui %lt3A_179 : i1 to i32
      %cond3A_181 = arith.constant 0 : i32
      %cond3A_182 = arith.cmpi ne, %convert_element_type3A_180, %cond3A_181 : i32
      scf.if %cond3A_182 {
        %add3A_183 = arith.constant 3 : i32
        %add3A_184 = arith.addi %add3A_154, %add3A_183 : i32
        %add3A_185 = arith.addi %mul3A_10, %add3A_184 : i32
        %dma_start3A_186 = arith.constant 0 : i32
        %dma_start3A_187 = tpu.memref_slice %arg3[%add3A_185, %dma_start3A_186] : memref<6400x128xi32, #tpu.memory_space<hbm>> -> memref<1x128xi32, #tpu.memory_space<hbm>>
        %dma_start3A_188 = arith.constant 0 : i32
        %dma_start3A_189 = tpu.memref_slice %arg3[%add3A_185, %dma_start3A_188] : memref<6400x128xi32, #tpu.memory_space<hbm>> -> memref<1x128xi32, #tpu.memory_space<hbm>>
        tpu.enqueue_dma source(%dma_start3A_189 : memref<1x128xi32, #tpu.memory_space<hbm>>) target(%arg8 : memref<1x128xi32, #tpu.memory_space<vmem>>) target_semaphore(%arg17 : memref<!tpu.dma_semaphore, #tpu.memory_space<semaphore_mem>>)
      } else {
      }
    }
    %scan3A_26 = arith.constant 66 : i32
    %dma_wait3A = arith.constant 0 : i32
    %dma_wait3A_27 = arith.constant 0 : i32
    %dma_wait3A_28 = tpu.memref_slice %arg6[%dma_wait3A, %dma_wait3A_27] : memref<1x128xi32, #tpu.memory_space<vmem>> -> memref<1x128xi32, #tpu.memory_space<vmem>>
    %dma_wait3A_29 = tpu.memref_squeeze %dma_wait3A_28 : memref<1x128xi32, #tpu.memory_space<vmem>> -> memref<128xi32, #tpu.memory_space<vmem>>
    %dma_wait3A_30 = arith.constant 0 : i32
    %dma_wait3A_31 = arith.constant 0 : i32
    %dma_wait3A_32 = tpu.memref_slice %arg5[%dma_wait3A_30, %dma_wait3A_31] : memref<10000x128xf32, #tpu.memory_space<vmem_shared>> -> memref<10000x128xf32, #tpu.memory_space<vmem_shared>>
    tpu.wait_indirect_dma semaphore(%arg12 : memref<!tpu.dma_semaphore, #tpu.memory_space<semaphore_mem>>) src(%dma_wait3A_32 : memref<10000x128xf32, #tpu.memory_space<vmem_shared>>) dst(%arg9 : memref<128x128xf32, #tpu.memory_space<vmem>>)
    %add3A_33 = arith.constant 25344 : i32
    %add3A_34 = arith.addi %mul3A_2, %add3A_33 : i32
    %dma_start3A_35 = arith.constant 0 : i32
    %dma_start3A_36 = tpu.memref_slice %arg4[%add3A_34, %dma_start3A_35] : memref<819200x128xf32, #tpu.memory_space<hbm>> -> memref<128x128xf32, #tpu.memory_space<hbm>>
    %dma_start3A_37 = arith.constant 0 : i32
    %dma_start3A_38 = tpu.memref_slice %arg4[%add3A_34, %dma_start3A_37] : memref<819200x128xf32, #tpu.memory_space<hbm>> -> memref<128x128xf32, #tpu.memory_space<hbm>>
    tpu.enqueue_dma source(%arg9 : memref<128x128xf32, #tpu.memory_space<vmem>>) target(%dma_start3A_38 : memref<128x128xf32, #tpu.memory_space<hbm>>) target_semaphore(%arg18 : memref<!tpu.dma_semaphore, #tpu.memory_space<semaphore_mem>>)
    %add3A_39 = arith.constant 25088 : i32
    %add3A_40 = arith.addi %mul3A_2, %add3A_39 : i32
    %dma_wait3A_41 = arith.constant 0 : i32
    %dma_wait3A_42 = tpu.memref_slice %arg4[%add3A_40, %dma_wait3A_41] : memref<819200x128xf32, #tpu.memory_space<hbm>> -> memref<128x128xf32, #tpu.memory_space<hbm>>
    %dma_wait3A_43 = arith.constant 0 : i32
    %dma_wait3A_44 = tpu.memref_slice %arg4[%add3A_40, %dma_wait3A_43] : memref<819200x128xf32, #tpu.memory_space<hbm>> -> memref<128x128xf32, #tpu.memory_space<hbm>>
    tpu.wait_dma2 semaphore(%arg19 : memref<!tpu.dma_semaphore, #tpu.memory_space<semaphore_mem>>) src(%arg10 : memref<128x128xf32, #tpu.memory_space<vmem>>) dst(%dma_wait3A_44 : memref<128x128xf32, #tpu.memory_space<hbm>>)
    %add3A_45 = arith.constant 199 : i32
    %add3A_46 = arith.addi %mul3A_10, %add3A_45 : i32
    %dma_wait3A_47 = arith.constant 0 : i32
    %dma_wait3A_48 = tpu.memref_slice %arg3[%add3A_46, %dma_wait3A_47] : memref<6400x128xi32, #tpu.memory_space<hbm>> -> memref<1x128xi32, #tpu.memory_space<hbm>>
    %dma_wait3A_49 = arith.constant 0 : i32
    %dma_wait3A_50 = tpu.memref_slice %arg3[%add3A_46, %dma_wait3A_49] : memref<6400x128xi32, #tpu.memory_space<hbm>> -> memref<1x128xi32, #tpu.memory_space<hbm>>
    tpu.wait_dma2 semaphore(%arg16 : memref<!tpu.dma_semaphore, #tpu.memory_space<semaphore_mem>>) src(%dma_wait3A_50 : memref<1x128xi32, #tpu.memory_space<hbm>>) dst(%arg7 : memref<1x128xi32, #tpu.memory_space<vmem>>)
    %dma_start3A_51 = arith.constant 0 : i32
    %dma_start3A_52 = arith.constant 0 : i32
    %dma_start3A_53 = tpu.memref_slice %arg7[%dma_start3A_51, %dma_start3A_52] : memref<1x128xi32, #tpu.memory_space<vmem>> -> memref<1x128xi32, #tpu.memory_space<vmem>>
    %dma_start3A_54 = tpu.memref_squeeze %dma_start3A_53 : memref<1x128xi32, #tpu.memory_space<vmem>> -> memref<128xi32, #tpu.memory_space<vmem>>
    %dma_start3A_55 = arith.constant 0 : i32
    %dma_start3A_56 = arith.constant 0 : i32
    %dma_start3A_57 = tpu.memref_slice %arg5[%dma_start3A_55, %dma_start3A_56] : memref<10000x128xf32, #tpu.memory_space<vmem_shared>> -> memref<10000x128xf32, #tpu.memory_space<vmem_shared>>
    tpu.enqueue_indirect_dma source(%dma_start3A_57 : memref<10000x128xf32, #tpu.memory_space<vmem_shared>>) target(%arg10 : memref<128x128xf32, #tpu.memory_space<vmem>>) offsets(%dma_start3A_54 : memref<128xi32, #tpu.memory_space<vmem>>) semaphore(%arg13 : memref<!tpu.dma_semaphore, #tpu.memory_space<semaphore_mem>>)
    %dma_wait3A_58 = arith.constant 0 : i32
    %dma_wait3A_59 = arith.constant 0 : i32
    %dma_wait3A_60 = tpu.memref_slice %arg7[%dma_wait3A_58, %dma_wait3A_59] : memref<1x128xi32, #tpu.memory_space<vmem>> -> memref<1x128xi32, #tpu.memory_space<vmem>>
    %dma_wait3A_61 = tpu.memref_squeeze %dma_wait3A_60 : memref<1x128xi32, #tpu.memory_space<vmem>> -> memref<128xi32, #tpu.memory_space<vmem>>
    %dma_wait3A_62 = arith.constant 0 : i32
    %dma_wait3A_63 = arith.constant 0 : i32
    %dma_wait3A_64 = tpu.memref_slice %arg5[%dma_wait3A_62, %dma_wait3A_63] : memref<10000x128xf32, #tpu.memory_space<vmem_shared>> -> memref<10000x128xf32, #tpu.memory_space<vmem_shared>>
    tpu.wait_indirect_dma semaphore(%arg13 : memref<!tpu.dma_semaphore, #tpu.memory_space<semaphore_mem>>) src(%dma_wait3A_64 : memref<10000x128xf32, #tpu.memory_space<vmem_shared>>) dst(%arg10 : memref<128x128xf32, #tpu.memory_space<vmem>>)
    %add3A_65 = arith.constant 25472 : i32
    %add3A_66 = arith.addi %mul3A_2, %add3A_65 : i32
    %dma_start3A_67 = arith.constant 0 : i32
    %dma_start3A_68 = tpu.memref_slice %arg4[%add3A_66, %dma_start3A_67] : memref<819200x128xf32, #tpu.memory_space<hbm>> -> memref<128x128xf32, #tpu.memory_space<hbm>>
    %dma_start3A_69 = arith.constant 0 : i32
    %dma_start3A_70 = tpu.memref_slice %arg4[%add3A_66, %dma_start3A_69] : memref<819200x128xf32, #tpu.memory_space<hbm>> -> memref<128x128xf32, #tpu.memory_space<hbm>>
    tpu.enqueue_dma source(%arg10 : memref<128x128xf32, #tpu.memory_space<vmem>>) target(%dma_start3A_70 : memref<128x128xf32, #tpu.memory_space<hbm>>) target_semaphore(%arg19 : memref<!tpu.dma_semaphore, #tpu.memory_space<semaphore_mem>>)
    %add3A_71 = arith.constant 25216 : i32
    %add3A_72 = arith.addi %mul3A_2, %add3A_71 : i32
    %dma_wait3A_73 = arith.constant 0 : i32
    %dma_wait3A_74 = tpu.memref_slice %arg4[%add3A_72, %dma_wait3A_73] : memref<819200x128xf32, #tpu.memory_space<hbm>> -> memref<128x128xf32, #tpu.memory_space<hbm>>
    %dma_wait3A_75 = arith.constant 0 : i32
    %dma_wait3A_76 = tpu.memref_slice %arg4[%add3A_72, %dma_wait3A_75] : memref<819200x128xf32, #tpu.memory_space<hbm>> -> memref<128x128xf32, #tpu.memory_space<hbm>>
    tpu.wait_dma2 semaphore(%arg20 : memref<!tpu.dma_semaphore, #tpu.memory_space<semaphore_mem>>) src(%arg11 : memref<128x128xf32, #tpu.memory_space<vmem>>) dst(%dma_wait3A_76 : memref<128x128xf32, #tpu.memory_space<hbm>>)
    %add3A_77 = arith.constant 25344 : i32
    %add3A_78 = arith.addi %mul3A_2, %add3A_77 : i32
    %dma_wait3A_79 = arith.constant 0 : i32
    %dma_wait3A_80 = tpu.memref_slice %arg4[%add3A_78, %dma_wait3A_79] : memref<819200x128xf32, #tpu.memory_space<hbm>> -> memref<128x128xf32, #tpu.memory_space<hbm>>
    %dma_wait3A_81 = arith.constant 0 : i32
    %dma_wait3A_82 = tpu.memref_slice %arg4[%add3A_78, %dma_wait3A_81] : memref<819200x128xf32, #tpu.memory_space<hbm>> -> memref<128x128xf32, #tpu.memory_space<hbm>>
    tpu.wait_dma2 semaphore(%arg18 : memref<!tpu.dma_semaphore, #tpu.memory_space<semaphore_mem>>) src(%arg9 : memref<128x128xf32, #tpu.memory_space<vmem>>) dst(%dma_wait3A_82 : memref<128x128xf32, #tpu.memory_space<hbm>>)
    %add3A_83 = arith.constant 25472 : i32
    %add3A_84 = arith.addi %mul3A_2, %add3A_83 : i32
    %dma_wait3A_85 = arith.constant 0 : i32
    %dma_wait3A_86 = tpu.memref_slice %arg4[%add3A_84, %dma_wait3A_85] : memref<819200x128xf32, #tpu.memory_space<hbm>> -> memref<128x128xf32, #tpu.memory_space<hbm>>
    %dma_wait3A_87 = arith.constant 0 : i32
    %dma_wait3A_88 = tpu.memref_slice %arg4[%add3A_84, %dma_wait3A_87] : memref<819200x128xf32, #tpu.memory_space<hbm>> -> memref<128x128xf32, #tpu.memory_space<hbm>>
    tpu.wait_dma2 semaphore(%arg19 : memref<!tpu.dma_semaphore, #tpu.memory_space<semaphore_mem>>) src(%arg10 : memref<128x128xf32, #tpu.memory_space<vmem>>) dst(%dma_wait3A_88 : memref<128x128xf32, #tpu.memory_space<hbm>>)
    return
  }
}

</mosaic_0001>

<sc_bundles>
// kernel: _sc_gather.3.cloned.1.call-start
scs
__scs_entry_jumppad:
0x0: {  	(pc) =	sbr.rel $0x88, $3  }
0x1: {  	(tag) =	ssettag $0x0;
	lr =	simm.s32 $0x1  }
0x2: {  	[smem:$0x3F9F] =	sst lr;
	_ =	strace $0xD0000000  }
0x3: {  	_ = 	snop  }
0x4: {  	_ = 	snop  }
0x5: {  	_ = 	snop  }
0x6: {  	_ = 	snop  }
0x7: {  	_ = 	snop  }
__scs_overlays_trampoline_lowered:
0x8: {  	[smem:$0x3FAE] =	sst s0  }
0x9: {  	[smem:$0x3FAF] =	sst s1  }
0xa: {  	[smem:$0x3FB0] =	sst s2  }
0xb: {  	[smem:$0x3FB1] =	sst s3  }
0xc: {  	[smem:$0x3FB2] =	sst s4  }
0xd: {  	[smem:$0x3FB3] =	sst s5  }
0xe: {  	[smem:$0x3FB4] =	sst s6  }
0xf: {  	[smem:$0x3FB5] =	sst s7  }
0x10: {  	[smem:$0x3FB6] =	sst s8  }
0x11: {  	[smem:$0x3FB7] =	sst s9;
	s0 =	simm.s32 @!p0 $0x0  }
0x12: {  	s1 =	sld [smem:$0x3F9D];
	s0 =	simm.s32 @p0 $0x1  }
0x13: {  	[smem:$0x3FB8] =	sst s0;
	s0 =	simm.s32 @!p1 $0x0  }
0x14: {  	s2 =	sld [smem:$0x3F9C];
	s0 =	simm.s32 @p1 $0x1  }
0x15: {  	[smem:$0x3FB9] =	sst s0;
	s0 =	simm.s32 @!p2 $0x0  }
0x16: {  	s3 =	sld [smem:$0x3FDB];
	s0 =	simm.s32 @p2 $0x1  }
0x17: {  	s4 =	simm.s32 $0x1BF5;
	[smem:$0x3FBB] =	sst s0  }
0x18: {  	s0 =	sld [smem:$0x3F9E];
	_ =	swait.ge [sflag:s4], $0x0  }
0x19: {  	s7 =	sld [smem:$0x3F9F]  }
0x1a: {  	s8 =	sadd.s32 $0xFFFFE003, lr  }
0x1b: {  	s9 =	sadd.s32 $0xFFFFFEF7, lr;
	s5 =	simm.s32 $0xFFFFFFFF;
	p2 =	slt.u32 s8, $0xFFFFF086  }
0x1c: {  	p1 =	slt.u32 s9, $0xF7A;
	s5 =	simm.s32 @!p2 $0x0  }
0x1d: {  	s5 =	simm.s32 @p1 $0x1;
	p0 =	seq.s32 s7, s2  }
0x1e: {  	s7 =	smul.u32 @!p0 $0xF7A, s2;
	p2 =	seq.s32 @!p0 s5, $0x0  }
0x1f: {  	s9 =	smul.u32 $0xF7A, s1;
	s8 =	simm.s32 @!p0 $0x1BF5;
	p2 =	por !p2, p0  }
0x20: {  	[sflag:s8] =	ssyncset.s32 @!p0 $0xFFFFF086;
	s6 =	sadd.s32 @!p0 s3, s7;
	s7 =	simm.s32 @!p0 $0x108  }
0x21: {  	s3 =	sadd.s32 s3, s9;
	s6 =	sadd.s32 @!p0 $0x88, s6;
	s7 =	simm.s32 @p2 $0x1082  }
0x22: {  	[simem:s7], [sflag:s8] =	dma.local @!p0 [hbm:s6], $0xF7A  }
0x23: {  	s9 =	sor.u32 $0xD0000000, s2;
	s6 =	simm.s32 $0x108;
	_ =	swait.ge @!p0 [sflag:s8], $0x0  }
0x24: {  	s3 =	sadd.s32 $0x88, s3;
	s6 =	simm.s32 @!p1 $0x1082;
	[sflag:s4] =	ssyncset.s32 $0xFFFFF086  }
0x25: {  	[simem:s6], [sflag:s4] =	dma.local [hbm:s3], $0xF7A  }
0x26: {  	[smem:$0x3F9F] =	sst s1;
	(tag) =	ssettag s2;
	_ =	strace s9  }
0x27: {  	s1 =	sld [smem:$0x3FAF]  }
0x28: {  	s2 =	sld [smem:$0x3FB0]  }
0x29: {  	s4 =	sld [smem:$0x3FB2]  }
0x2a: {  	p0 =	seq.s32 s5, $0x0;
	s5 =	sld [smem:$0x3FB3]  }
0x2b: {  	s6 =	sld [smem:$0x3FB4]  }
0x2c: {  	s7 =	sld [smem:$0x3FB5]  }
0x2d: {  	s3 =	simm.s32 $0x108;
	s8 =	sld [smem:$0x3FB6]  }
0x2e: {  	s3 =	simm.s32 @!p0 $0x1082;
	s9 =	sld [smem:$0x3FB7]  }
0x2f: {  	lr =	sadd.s32 s0, s3;
	s0 =	sld [smem:$0x3FAE]  }
0x30: {  	s3 =	sld [smem:$0x3FB1]  }
0x31: {  	[smem:$0x3FBA] =	sst s10  }
0x32: {  	s10 =	sld [smem:$0x3FB8];
	_ =	sdelay $0x3  }
0x33: {  	p0 =	seq.s32 s10, $0x1;
	s10 =	sld [smem:$0x3FBA];
	_ =	sdelay $0x3  }
0x34: {  	[smem:$0x3FBA] =	sst s10  }
0x35: {  	s10 =	sld [smem:$0x3FB9];
	_ =	sdelay $0x3  }
0x36: {  	p1 =	seq.s32 s10, $0x1;
	s10 =	sld [smem:$0x3FBA];
	_ =	sdelay $0x3  }
0x37: {  	[smem:$0x3FBA] =	sst s10  }
0x38: {  	s10 =	sld [smem:$0x3FBB]  }
0x39: {  	_ = 	snop;
	(pc) =	sbr.ind lr, $3  }
0x3a: {  	_ = 	snop  }
0x3b: {  	_ = 	snop  }
0x3c: {  	p2 =	seq.s32 s10, $0x1;
	s10 =	sld [smem:$0x3FBA]  }
0x3d: {  	_ =	shalt  }
0x3e: {  	_ =	shalt  }
0x3f: {  	_ =	shalt  }
0x40: {  	_ =	shalt  }
0x41: {  	_ =	shalt  }
0x42: {  	_ =	shalt  }
0x43: {  	_ =	shalt  }
0x44: {  	_ =	shalt  }
0x45: {  	_ =	shalt  }
0x46: {  	_ =	shalt  }
0x47: {  	_ =	shalt  }
0x48: {  	_ =	shalt  }
0x49: {  	_ =	shalt  }
0x4a: {  	_ =	shalt  }
0x4b: {  	_ =	shalt  }
0x4c: {  	_ =	shalt  }
0x4d: {  	_ =	shalt  }
0x4e: {  	_ =	shalt  }
0x4f: {  	_ =	shalt  }
0x50: {  	_ =	shalt  }
0x51: {  	_ =	shalt  }
0x52: {  	_ =	shalt  }
0x53: {  	_ =	shalt  }
0x54: {  	_ =	shalt  }
0x55: {  	_ =	shalt  }
0x56: {  	_ =	shalt  }
0x57: {  	_ =	shalt  }
0x58: {  	_ =	shalt  }
0x59: {  	_ =	shalt  }
0x5a: {  	_ =	shalt  }
0x5b: {  	_ =	shalt  }
0x5c: {  	_ =	shalt  }
0x5d: {  	_ =	shalt  }
0x5e: {  	_ =	shalt  }
0x5f: {  	_ =	shalt  }
0x60: {  	_ =	shalt  }
0x61: {  	_ =	shalt  }
0x62: {  	_ =	shalt  }
0x63: {  	_ =	shalt  }
0x64: {  	_ =	shalt  }
0x65: {  	_ =	shalt  }
0x66: {  	_ =	shalt  }
0x67: {  	_ =	shalt  }
0x68: {  	_ =	shalt  }
0x69: {  	_ =	shalt  }
0x6a: {  	_ =	shalt  }
0x6b: {  	_ =	shalt  }
0x6c: {  	_ =	shalt  }
0x6d: {  	_ =	shalt  }
0x6e: {  	_ =	shalt  }
0x6f: {  	_ =	shalt  }
0x70: {  	_ =	shalt  }
0x71: {  	_ =	shalt  }
0x72: {  	_ =	shalt  }
0x73: {  	_ =	shalt  }
0x74: {  	_ =	shalt  }
0x75: {  	_ =	shalt  }
0x76: {  	_ =	shalt  }
0x77: {  	_ =	shalt  }
0x78: {  	_ =	shalt  }
0x79: {  	_ =	shalt  }
0x7a: {  	_ =	shalt  }
0x7b: {  	_ =	shalt  }
0x7c: {  	_ =	shalt  }
0x7d: {  	_ =	shalt  }
0x7e: {  	_ =	shalt  }
0x7f: {  	_ =	shalt  }
0x80: {  	_ =	shalt  }
0x81: {  	_ =	shalt  }
0x82: {  	_ =	shalt  }
0x83: {  	_ =	shalt  }
0x84: {  	_ =	shalt  }
0x85: {  	_ =	shalt  }
0x86: {  	_ =	shalt  }
0x87: {  	_ =	shalt  }
.Lfunc_end0:
.L_simem_size_0:
called_computation_lowered:
.L_overlay_start_0:
0x88: {  	s2 =	sld [smem:$0x3FD9]  }
0x89: {  	s3 =	sld [smem:$0x3FFE];
	_ =	sdelay $0x1  }
0x8a: {  	s1 =	srdreg.scid  }
0x8b: {  	s0 =	sand.u32 $0x1, s1  }
0x8c: {  	s18 =	sshll.u32 s0, $0xA;
	s2 =	sadd.s32 s3, s2  }
0x8d: {  	s2 =	sadd.s32 s2, s18  }
0x8e: {  	[smem:$0x3FC6] =	sst s2  }
0x8f: {  	_ = 	snop  }
0x90: {  	s2 =	sld [smem:$0x3FC9]  }
0x91: {  	s19 =	sld [smem:$0x3FC8]  }
0x92: {  	s4 =	sld [smem:$0x3FD0];
	(tm) =	ssettm $0x1  }
0x93: {  	s5 =	sld [smem:$0x3FFB];
	_ =	sdelay $0x3  }
0x94: {  	_ =	strace s5  }
0x95: {  	s5 =	sld [smem:$0x3FFC];
	_ =	sdelay $0x3  }
0x96: {  	_ =	strace s5  }
0x97: {  	s5 =	sld [smem:$0x3FFD];
	_ =	sdelay $0x3  }
0x98: {  	_ =	strace s5  }
0x99: {  	_ =	strace $0x8FFFFFFF  }
0x9a: {  	s20 =	sld [smem:$0x3FDB];
	_ =	sdelay $0x1  }
0x9b: {  	s6 =	simm.s32 $_scs_section_size  }
0x9c: {  	s7 =	simm.s32 $_size__tile_overlayer_lowered;
	s8 =	simm.s32 $_tile_overlayer_lowered  }
0x9d: {  	s23 =	simm.s32 $0x1BFF;
	s22 =	sshll.u32 s8, $0x1;
	s5 =	sadd.s32 s6, s20  }
0x9e: {  	s9 =	simm.s32 $0x0;
	s21 =	sshll.u32 s7, $0x1;
	s7 =	sadd.s32 s22, s5  }
0x9f: {  	[timem:s9], [sflag:s23] =	dma.local [hbm:s7], s21  }
0xa0: {  	_ =	swait.ge [sflag:s23], s21  }
0xa1: {  	s6 =	ssub.s32 $0x0, s21;
	[sflag:s23] =	ssyncset.done $0x0  }
0xa2: {  	[sflag:s23] =	ssyncadd.s32 s6;
	_ =	sdelay $0x1  }
0xa3: {  	s24 =	simm.s32 $0x1B8B  }
0xa4: {  	_ =	swait.ge [sflag:s24], $0x1  }
0xa5: {  	[sflag:s24] =	ssyncset.done $0x0  }
0xa6: {  	s25 =	simm.s32 $0x1B8E;
	[sflag:s24] =	ssyncadd.s32 $0xFFFFFFFF  }
0xa7: {  	s26 =	simm.s32 $execute0_lowered;
	[smem:$0x3FD2] =	sst s25  }
0xa8: {  	s6 =	sshll.u32 s26, $0x1;
	_ =	strace $0x80000046;
	[dreg:$0x1] =	wrdreg $0xFFFFFFFF  }
0xa9: {  	s28 =	simm.s32 $_size_execute0_lowered;
	s5 =	sadd.s32 s5, s6;
	[dreg:$0x0] =	wrdreg $0x0  }
0xaa: {  	s6 =	sshll.u32 s28, $0x1;
	[dreg:$0x2] =	wrdreg s5  }
0xab: {  	[dreg:$0x3] =	wrdreg s6  }
0xac: {  	[dreg:$0x4] =	wrdreg $0xC0  }
0xad: {  	_ =	task [dreg:s9], $0x5FFFF  }
0xae: {  	[dreg:$0x1] =	wrdreg $0xFFFFFFFF  }
0xaf: {  	[dreg:$0x0] =	wrdreg $0x60  }
0xb0: {  	[dreg:$0x2] =	wrdreg s19  }
0xb1: {  	[dreg:$0x3] =	wrdreg s2  }
0xb2: {  	[dreg:$0x4] =	wrdreg s4  }
0xb3: {  	[dreg:$0x5] =	wrdreg $0x0  }
0xb4: {  	[dreg:$0x6] =	wrdreg $0x9  }
0xb5: {  	_ =	task.clear_ibuf [dreg:s9], $0x7FFFF;
	_ =	strace $0x90000046  }
0xb6: {  	s29 =	simm.s32 $0x9;
	_ =	strace $0x80000048  }
0xb7: {  	_ =	swait.ge [sflag:s29], $0x1  }
0xb8: {  	[sflag:s29] =	ssyncadd.s32 $0xFFFFFFFF  }
0xb9: {  	_ =	strace $0x90000048  }
0xba: {  	_ =	sfence  }
0xbb: {  	s30 =	sld [smem:$0x0];
	_ =	sdelay $0x2  }
0xbc: {  	s31 =	sshll.u32 s1, $0xD;
	s1 =	sshrl.u32 s1, $0x2  }
0xbd: {  	s3 =	sand.u32 $0x4000, s31;
	s1 =	sadd.s32 s1, s30  }
0xbe: {  	s0 =	sor.u32 s3, s0;
	s1 =	sshll.u32 s1, $0x11  }
0xbf: {  	s0 =	sor.u32 s1, s0  }
0xc0: {  	s0 =	sadd.s32 $0x8F2B, s0  }
0xc1: {  	[sflag:s0] =	ssyncadd.remote.s32 $0x1  }
0xc2: {  	_ =	sfence.sel $0xFFFF  }
0xc3: {  	[dreg:$0x0] =	wrdreg $0xFFFFFFFF;
	(pc) =	sbr.abs _section_cstart, $3  }
0xc4: {  	[dreg:$0x1] =	wrdreg $0xFFFFFFFF  }
0xc5: {  	_ =	task.clear_ibuf [dreg:s9], $0x2FFFF;
	_ =	strace $0x9FFFFFFF  }
0xc6: {  	(tm) =	ssettm $0x7FFFFFFF  }
0xc7: {  	_ =	shalt  }
tec
execute0_lowered:
.L_overlay_start_1:
0x0: {  	(tag) =	ssettag $0x1  }
0x1: {  	s0 =	rddreg [dreg:$0x0]  }
0x2: {  	s1 =	rddreg [dreg:$0x1]  }
0x3: {  	s4 =	rddreg [dreg:$0x2]  }
0x4: {  	s2 =	rddreg [dreg:$0x3]  }
0x5: {  	s5 =	srdreg.scid;
	s6 =	stileid.u32  }
0x6: {  	s3 =	simm.s32 $0x0;
	s28 =	simm.s32 $0x1BA00;
	s8 =	smul.u32 $0x4E000, s6  }
0x7: {  	s29 =	simm.s32 $0x2;
	s30 =	simm.s32 $0x7;
	s11 =	smul.u32 $0x2700, s6  }
0x8: {  	s31 =	simm.s32 $0x4;
	s7 =	sand.u32 $0x1, s5;
	s17 =	smul.u32 $0xC8000, s6  }
0x9: {  	[smem:$0x7FF] =	sst s3;
	s10 =	sshll.u32 s6, $0x1;
	s18 =	smul.u32 $0x640000, s6  }
0xa: {  	s15 =	sshll.u32 s6, $0x6;
	s13 =	sadd.s32 $0x138000, s2;
	s21 =	smul.u32 $0x1900, s6  }
0xb: {  	p0 =	sne.s32 s6, $0x0;
	s6 =	simm.s32 $0x5;
	s19 =	smul.u32 $0x320000, s7  }
0xc: {  	s5 =	ssub.s32 $0x2, s7;
	_ =	strace $0x80000047;
	s20 =	smul.u32 $0x64000, s7  }
0xd: {  	s10 =	sor.u32 s7, s10;
	s22 =	smul.u32 $0xC80, s7;
	s9 =	sshrl.u32 s5, $0x1  }
0xe: {  	s8 =	sshrl.u32 s8, $0x2;
	s14 =	sadd.s32 s0, s11;
	s16 =	smul.u32 $0xC80, s10  }
0xf: {  	s10 =	smul.u32 $0x320000, s10;
	s0 =	sadd.s32 $0x27000, s0;
	s9 =	ssub.s32 s5, s9  }
0x10: {  	s8 =	sadd.s32 s8, s2;
	[dreg:$0x5] =	wrdreg s14;
	s5 =	sor.u32 $0x1C0A, s15  }
0x11: {  	[dreg:$0x6] =	wrdreg s0;
	s0 =	sadd.s32 s17, s4;
	s12 =	sadd.s32 s1, s16  }
0x12: {  	s10 =	sshrl.u32 s10, $0x3;
	s9 =	smax.u32 s9, $0x1;
	[dreg:$0x7] =	wrdreg s12  }
0x13: {  	s0 =	sadd.s32 s20, s0;
	s17 =	sshrl.u32 s8, $0x3;
	[dreg:$0xc] =	wrdreg s9  }
0x14: {  	s20 =	simm.s32 $0x13880;
	s11 =	sadd.s32 $0x10, s12;
	[dreg:$0xd] =	wrdreg s0  }
0x15: {  	s8 =	simm.s32 $0x9;
	s12 =	sadd.s32 $0x20, s12;
	[dreg:$0x8] =	wrdreg s11  }
0x16: {  	s10 =	sadd.s32 s4, s10;
	s9 =	simm.s32 $0x0;
	[dreg:$0x9] =	wrdreg s12  }
0x17: {  	s14 =	sadd.s32 $0x63000, s10;
	s10 =	sadd.s32 $0x63800, s10;
	s11 =	sadd.s32 s19, s18  }
0x18: {  	s18 =	simm.s32 $0xA;
	s19 =	sshrl.u32 @!p0 s13, $0x3;
	[dreg:$0xa] =	wrdreg s14  }
0x19: {  	[dreg:$0xb] =	wrdreg s10;
	s23 =	sor.u32 $0x8000, s11;
	s25 =	sor.u32 $0x4000, s11  }
.Ltmp0:
0x1a: {  	s14 =	sadd.s32 s22, s21;
	s21 =	simm.s32 $0x13900;
	(pc) =	sbr.rel .LBB2_1-.Ltmp0, $4  }
0x1b: {  	s22 =	simm.s32 $0x13980;
	s24 =	sshrl.u32 s23, $0x3;
	s26 =	sshrl.u32 s25, $0x3  }
0x1c: {  	s23 =	simm.s32 $0x80;
	s25 =	simm.s32 $0x17A00;
	s0 =	sadd.s32 s24, s4  }
0x1d: {  	s11 =	sadd.s32 s26, s4;
	s24 =	simm.s32 $0x13A00;
	s26 =	simm.s32 $0x1  }
0x1e: {  	s4 =	simm.s32 $0x8;
	[dreg:$0xe] =	wrdreg s0;
	s0 =	simm.s32 $0x3  }
.LBB2_4:
0x1f: {  	_ =	swait.ge [sflag:s26], $0x4000  }
0x20: {  	[sflag:s26] =	ssyncset.done $0x0  }
0x21: {  	s7 =	rddreg [dreg:$0xa];
	[sflag:s26] =	ssyncadd.s32 $0xFFFFC000  }
0x22: {  	[hbm4b:s7+s3] =	stream.linear.scatter [tilespmem:s24], [sflag:$0x7], $0x4000, $0x38;
	[tilespmem:$0x1FA00] =	vst v63  }
0x23: {  	_ =	swait.ge [sflag:s4], $0x4000  }
0x24: {  	[sflag:s4] =	ssyncset.done $0x0  }
0x25: {  	[sflag:s4] =	ssyncadd.s32 $0xFFFFC000  }
0x26: {  	_ =	swait.ge [sflag:s6], $0x80  }
0x27: {  	[sflag:s6] =	ssyncset.done $0x0  }
0x28: {  	[sflag:s6] =	ssyncadd.s32 $0xFFFFFF80  }
0x29: {  	[tilespmem:s25], [sflag:$0x2] =	stream.indirect.gather [spmem:s2], $0x80, s21, s23, $0xb8;
	[tilespmem:$0x1FA00] =	vst v63  }
0x2a: {  	_ =	swait.ge [sflag:s29], $0x4000  }
0x2b: {  	[sflag:s29] =	ssyncset.done $0x0  }
0x2c: {  	s15 =	rddreg [dreg:$0xb];
	[sflag:s29] =	ssyncadd.s32 $0xFFFFC000  }
0x2d: {  	[hbm4b:s15+s3] =	stream.linear.scatter [tilespmem:s25], [sflag:$0x8], $0x4000, $0x38;
	[tilespmem:$0x1FA00] =	vst v63  }
0x2e: {  	_ =	swait.ge [sflag:s8], $0x4000  }
0x2f: {  	[sflag:s8] =	ssyncset.done $0x0  }
0x30: {  	[sflag:s8] =	ssyncadd.s32 $0xFFFFC000  }
0x31: {  	_ =	swait.ge [sflag:s30], $0x4000  }
0x32: {  	[sflag:s30] =	ssyncset.done $0x0  }
0x33: {  	[sflag:s30] =	ssyncadd.s32 $0xFFFFC000  }
0x34: {  	_ =	swait.ge [sflag:s4], $0x4000  }
0x35: {  	s9 =	sadd.s32 $0x1, s9;
	s16 =	rddreg [dreg:$0xc]  }
0x36: {  	p1 =	sne.s32 s9, s16  }
.Ltmp1:
0x37: {  	_ = 	snop;
	(pc) =	sbr.rel @!p1 .LBB2_5-.Ltmp1, $3  }
0x38: {  	_ =	sdelay $0x1  }
0x39: {  	[sflag:s4] =	ssyncset.done $0x0  }
0x3a: {  	[sflag:s4] =	ssyncadd.s32 $0xFFFFC000  }
.LBB2_1:
0x3b: {  	s7 =	rddreg [dreg:$0x5]  }
0x3c: {  	[spmem:s17], [sflag:s5] =	dma.local [hbm:s7], $0x2700  }
0x3d: {  	_ =	swait.ge [sflag:s18], $0x2700  }
0x3e: {  	[sflag:s18] =	ssyncset.done $0x0  }
0x3f: {  	s10 =	simm.s32 @!p0 $0xA;
	s7 =	rddreg [dreg:$0x6];
	[sflag:s18] =	ssyncadd.s32 $0xFFFFD900  }
0x40: {  	[spmem:s19], [sflag:s5] =	dma.local @!p0 [hbm:s7], $0x100  }
0x41: {  	_ =	swait.ge @!p0 [sflag:s10], $0x100  }
0x42: {  	[sflag:s10] =	ssyncset.done @!p0 $0x0  }
0x43: {  	[sflag:s10] =	ssyncadd.s32 @!p0 $0xFFFFFF00  }
0x44: {  	[bflag:$0x0] =	sbarrier.arrive $0xFFFF  }
0x45: {  	s13 =	rddreg [dreg:$0x7]  }
0x46: {  	[tilespmem:s20], [sflag:$0xA] =	stream.linear.gather [hbm4b:s13+s3], $0x80, $0x38;
	[tilespmem:$0x1FA00] =	vst v63  }
0x47: {  	_ =	swait.ge [sflag:s18], $0x80  }
0x48: {  	[sflag:s18] =	ssyncset.done $0x0  }
0x49: {  	s15 =	rddreg [dreg:$0x8];
	[sflag:s18] =	ssyncadd.s32 $0xFFFFFF80  }
0x4a: {  	[tilespmem:s21], [sflag:$0xA] =	stream.linear.gather [hbm4b:s15+s3], $0x80, $0x38;
	[tilespmem:$0x1FA00] =	vst v63  }
0x4b: {  	_ =	swait.ge [sflag:s18], $0x80  }
0x4c: {  	[sflag:s18] =	ssyncset.done $0x0  }
0x4d: {  	s16 =	rddreg [dreg:$0x9];
	[sflag:s18] =	ssyncadd.s32 $0xFFFFFF80  }
0x4e: {  	[tilespmem:s22], [sflag:$0xA] =	stream.linear.gather [hbm4b:s16+s3], $0x80, $0x38;
	[tilespmem:$0x1FA00] =	vst v63  }
0x4f: {  	_ =	swait.ge [sflag:s18], $0x80  }
0x50: {  	s10 =	simm.s32 $0x50;
	[sflag:s18] =	ssyncset.done $0x0;
	s15 =	rddreg [dreg:$0xe]  }
0x51: {  	s16 =	smov.u32 s11;
	s13 =	rddreg [dreg:$0xd];
	[sflag:s18] =	ssyncadd.s32 $0xFFFFFF80  }
0x52: {  	[tilespmem:s24], [sflag:$0x1] =	stream.indirect.gather [spmem:s2], $0x80, s20, s23, $0xb8;
	[tilespmem:$0x1FA00] =	vst v63  }
.LBB2_2:
0x53: {  	p1 =	seq.s32 s10, $0x50  }
0x54: {  	s7 =	simm.s32 @!p1 $0x8  }
0x55: {  	_ =	swait.ge @!p1 [sflag:s7], $0x4000  }
0x56: {  	[sflag:s7] =	ssyncset.done @!p1 $0x0  }
0x57: {  	[sflag:s7] =	ssyncadd.s32 @!p1 $0xFFFFC000;
	s7 =	simm.s32 @!p1 $0x5  }
0x58: {  	_ =	swait.ge @!p1 [sflag:s7], $0x80  }
0x59: {  	[sflag:s7] =	ssyncset.done @!p1 $0x0  }
0x5a: {  	[sflag:s7] =	ssyncadd.s32 @!p1 $0xFFFFFF80  }
0x5b: {  	[tilespmem:s25], [sflag:$0x2] =	stream.indirect.gather [spmem:s2], $0x80, s21, s23, $0xb8;
	[tilespmem:$0x1FA00] =	vst v63  }
0x5c: {  	s7 =	sadd.s32 $0xFFFFFFE0, s10;
	_ =	swait.ge [sflag:s26], $0x4000  }
0x5d: {  	s12 =	sadd.s32 s14, s7;
	s7 =	sand.u32 $0x70, s7;
	[sflag:s26] =	ssyncset.done $0x0  }
0x5e: {  	s12 =	sand.u32 $0xFFFFF80, s12;
	s7 =	sadd.s32 s1, s7;
	[sflag:s26] =	ssyncadd.s32 $0xFFFFC000  }
0x5f: {  	[hbm4b:s13+s3] =	stream.linear.scatter [tilespmem:s24], [sflag:$0x7], $0x4000, $0x38;
	[tilespmem:$0x1FA00] =	vst v63  }
0x60: {  	s7 =	sadd.s32 s12, s7  }
0x61: {  	[tilespmem:s20], [sflag:$0x4] =	stream.linear.gather [hbm4b:s7+s3], $0x80, $0x38;
	[tilespmem:$0x1FA00] =	vst v63  }
0x62: {  	s7 =	simm.s32 @!p1 $0x9  }
0x63: {  	_ =	swait.ge @!p1 [sflag:s7], $0x4000  }
0x64: {  	[sflag:s7] =	ssyncset.done @!p1 $0x0  }
0x65: {  	[sflag:s7] =	ssyncadd.s32 @!p1 $0xFFFFC000;
	s7 =	simm.s32 @!p1 $0x6  }
0x66: {  	_ =	swait.ge @!p1 [sflag:s7], $0x80  }
0x67: {  	[sflag:s7] =	ssyncset.done @!p1 $0x0  }
0x68: {  	[sflag:s7] =	ssyncadd.s32 @!p1 $0xFFFFFF80  }
0x69: {  	[tilespmem:s28], [sflag:$0x3] =	stream.indirect.gather [spmem:s2], $0x80, s22, s23, $0xb8;
	[tilespmem:$0x1FA00] =	vst v63  }
0x6a: {  	s7 =	sadd.s32 $0xFFFFFFF0, s10;
	_ =	swait.ge [sflag:s29], $0x4000  }
0x6b: {  	s12 =	sadd.s32 s14, s7;
	s7 =	sand.u32 $0x70, s7;
	[sflag:s29] =	ssyncset.done $0x0  }
0x6c: {  	s12 =	sand.u32 $0xFFFFF80, s12;
	s7 =	sadd.s32 s1, s7;
	[sflag:s29] =	ssyncadd.s32 $0xFFFFC000  }
0x6d: {  	[hbm4b:s16+s3] =	stream.linear.scatter [tilespmem:s25], [sflag:$0x8], $0x4000, $0x38;
	[tilespmem:$0x1FA00] =	vst v63  }
0x6e: {  	s7 =	sadd.s32 s12, s7  }
0x6f: {  	[tilespmem:s21], [sflag:$0x5] =	stream.linear.gather [hbm4b:s7+s3], $0x80, $0x38;
	[tilespmem:$0x1FA00] =	vst v63  }
0x70: {  	_ =	swait.ge [sflag:s30], $0x4000  }
0x71: {  	[sflag:s30] =	ssyncset.done $0x0  }
0x72: {  	[sflag:s30] =	ssyncadd.s32 $0xFFFFC000  }
0x73: {  	_ =	swait.ge [sflag:s31], $0x80  }
0x74: {  	[sflag:s31] =	ssyncset.done $0x0  }
0x75: {  	p1 =	seq.s32 s10, $0xC80;
	[sflag:s31] =	ssyncadd.s32 $0xFFFFFF80  }
0x76: {  	[tilespmem:s24], [sflag:$0x1] =	stream.indirect.gather [spmem:s2], $0x80, s20, s23, $0xb8;
	[tilespmem:$0x1FA00] =	vst v63  }
.Ltmp2:
0x77: {  	_ = 	snop;
	(pc) =	sbr.rel @p1 .LBB2_4-.Ltmp2, $4  }
0x78: {  	_ =	swait.ge [sflag:s0], $0x4000  }
0x79: {  	[sflag:s0] =	ssyncset.done $0x0  }
0x7a: {  	[sflag:s0] =	ssyncadd.s32 $0xFFFFC000  }
0x7b: {  	[hbm4b:s15+s3] =	stream.linear.scatter [tilespmem:s28], [sflag:$0x9], $0x4000, $0x38;
	[tilespmem:$0x1FA00] =	vst v63  }
.Ltmp3:
0x7c: {  	(pc) =	sbr.rel .LBB2_2-.Ltmp3, $4  }
0x7d: {  	s7 =	sadd.s32 s10, s14;
	s12 =	sand.u32 $0x70, s10;
	s13 =	sadd.s32 $0x1800, s13  }
0x7e: {  	s10 =	sadd.s32 $0x30, s10;
	s7 =	sand.u32 $0xFFFFF80, s7;
	s12 =	sadd.s32 s1, s12  }
0x7f: {  	s15 =	sadd.s32 $0x1800, s15;
	s16 =	sadd.s32 $0x1800, s16;
	s7 =	sadd.s32 s7, s12  }
0x80: {  	[tilespmem:s22], [sflag:$0x6] =	stream.linear.gather [hbm4b:s7+s3], $0x80, $0x38;
	[tilespmem:$0x1FA00] =	vst v63  }
.LBB2_5:
0x81: {  	_ =	sfence.sel $0x180000  }
0x82: {  	[bflag:$0x0] =	sbarrier.arrive $0xFFFF  }
0x83: {  	_ =	strace $0x90000047  }
0x84: {  	[bflag:$0x2] =	sbarrier.arrive $0xFFFF  }
0x85: {  	s0 =	rddreg [dreg:$0x4]  }
0x86: {  	s0 =	sadd.s32 @!p0 $0x100000, s0  }
0x87: {  	[sflag:s0] =	ssyncadd.tile.s32 @!p0 $0x1;
	_ =	shalt  }
.Lfunc_end2:
_tile_overlayer_lowered:
.L_overlay_start_2:
0x88: {  	(tag) =	ssettag $0x2  }
0x89: {  	s0 =	rddreg [dreg:$0x0];
	s2 =	stileid.u32  }
0x8a: {  	s1 =	rddreg [dreg:$0x1];
	p0 =	sne.s32 s2, $0x0  }
0x8b: {  	s3 =	rddreg [dreg:$0x2];
	[bflag:$0x3] =	sbarrier.arrive $0xFFFF;
	s2 =	simm.s32 @!p0 $0x1C0A  }
0x8c: {  	[timem:s3], [sflag:s2] =	dma.local @!p0 [hbm:s0], s1  }
0x8d: {  	s0 =	simm.s32 @!p0 $0xA  }
0x8e: {  	_ =	swait.ge @!p0 [sflag:s0], s1  }
0x8f: {  	s1 =	ssub.s32 @!p0 $0x0, s1;
	[sflag:s0] =	ssyncset.done @!p0 $0x0  }
0x90: {  	[sflag:s0] =	ssyncadd.s32 @!p0 s1  }
0x91: {  	[bflag:$0x3] =	sbarrier.arrive $0xFFFF  }
0x92: {  	_ =	shalt  }

</sc_bundles>
